<compile_context>
chip_gen: v7x
topology: tpu7x:2x2x1
jax: 0.10.2.dev20260603
libtpu: 0.0.44.dev20260713+nightly
codegen_flags: <defaults>
</compile_context>

<pallas_src>
import dataclasses
import functools

import jax
import jax.numpy as jnp
from jax import lax
from jax.experimental import pallas as pl
from jax.experimental.pallas import tpu as pltpu
from jax.experimental.pallas import tpu_sc as plsc

_NL, _NE, _N = 32, 8, 14336
_K = 7168
_ROWS = _NL * _NE
_BR = 32

_R_SC = 32
_R_TC = _ROWS - _R_SC
_NW = 32
_RPW = _R_SC // _NW
_L = 16


def _tc_body(x_ref, o_ref, u_ref):
    x = x_ref[...]
    v = jnp.maximum(x, 0.0)
    u = jax.lax.bitcast_convert_type(v, jnp.int32)
    u_ref[...] = u

    lo = jnp.min(u, axis=1, keepdims=True)
    hi = jnp.max(u, axis=1, keepdims=True)

    def cond(carry):
        lo, hi = carry
        return jnp.any(lo < hi)

    def it(carry):
        lo, hi = carry
        mid = lo + (hi - lo) // 2
        cnt = jnp.sum((u_ref[...] <= mid).astype(jnp.int32), axis=1,
                      keepdims=True)
        pred = cnt >= _K
        return jnp.where(pred, lo, mid + 1), jnp.where(pred, mid, hi)

    lo, hi = jax.lax.while_loop(cond, it, (lo, hi))
    o_ref[...] = jnp.where(u_ref[...] <= lo, 0.0, v)


def _tc_part(flat_tc):
    return pl.pallas_call(
        _tc_body,
        grid=(_R_TC // _BR,),
        in_specs=[pl.BlockSpec((_BR, _N), lambda i: (i, 0))],
        out_specs=pl.BlockSpec((_BR, _N), lambda i: (i, 0)),
        out_shape=jax.ShapeDtypeStruct((_R_TC, _N), jnp.float32),
        scratch_shapes=[pltpu.VMEM((_BR, _N), jnp.int32)],
        compiler_params=pltpu.CompilerParams(
            dimension_semantics=("parallel",),
        ),
    )(flat_tc)


def _sc_row(ubuf):
    @plsc.parallel_loop(0, _N, _L, unroll=8,
                        carry=(jnp.full((_L,), 0x7F800000, jnp.int32),
                               jnp.zeros((_L,), jnp.int32)))
    def seed(i, carry):
        lo_v, hi_v = carry
        c = ubuf[pl.ds(i, _L)]
        return jnp.minimum(lo_v, c), jnp.maximum(hi_v, c)

    lo_v, hi_v = seed
    lo, hi = jnp.min(lo_v), jnp.max(hi_v)

    def cond(carry):
        lo, hi = carry
        return lo < hi

    def it(carry):
        lo, hi = carry
        mid = lo + (hi - lo) // 2

        @plsc.parallel_loop(0, _N, _L, unroll=8,
                            carry=jnp.zeros((_L,), jnp.int32))
        def cnt_vec(i, cnt):
            c = ubuf[pl.ds(i, _L)]
            return cnt + jnp.where(c <= mid, 1, 0)

        cnt = jnp.sum(cnt_vec)
        pred = cnt >= _K
        return (jnp.where(pred, lo, mid + 1), jnp.where(pred, mid, hi))

    lo, hi = lax.while_loop(cond, it, (lo, hi))
    return lo


def _sc_part(flat_sc):
    mesh = plsc.VectorSubcoreMesh(core_axis_name="c", subcore_axis_name="s")
    cp = pltpu.CompilerParams()
    if "needs_layout_passes" in pltpu.CompilerParams.__dataclass_fields__:
        cp = dataclasses.replace(cp, needs_layout_passes=False)

    @functools.partial(
        pl.kernel,
        mesh=mesh,
        compiler_params=cp,
        out_type=jax.ShapeDtypeStruct((_R_SC, _N), jnp.float32),
        scratch_types=[
            pltpu.VMEM((_N,), jnp.float32),
            pltpu.VMEM((_N,), jnp.int32),
            pltpu.SemaphoreType.DMA,
        ],
    )
    def sc_kernel(x_hbm, o_hbm, xbuf, ubuf, sem):
        wid = lax.axis_index("s") * 2 + lax.axis_index("c")
        for r in range(_RPW):
            row = wid * _RPW + r
            pltpu.async_copy(x_hbm.at[row], xbuf, sem).wait()

            @plsc.parallel_loop(0, _N, _L, unroll=8)
            def prep(i):
                c = xbuf[pl.ds(i, _L)]
                v = jnp.maximum(c, 0.0)
                ubuf[pl.ds(i, _L)] = jax.lax.bitcast_convert_type(
                    v, jnp.int32)

            t = _sc_row(ubuf)

            @plsc.parallel_loop(0, _N, _L, unroll=8)
            def mask(i):
                c = ubuf[pl.ds(i, _L)]
                z = jnp.where(c <= t, 0, c)
                xbuf[pl.ds(i, _L)] = jax.lax.bitcast_convert_type(
                    z, jnp.float32)
            pltpu.async_copy(xbuf, o_hbm.at[row], sem).wait()

    return sc_kernel(flat_sc)


def kernel(z_loga_expert):
    flat = z_loga_expert.reshape(_ROWS, _N)
    out_sc = _sc_part(flat[_R_TC:])
    out_tc = _tc_part(flat[:_R_TC])
    return jnp.concatenate([out_tc, out_sc], axis=0).reshape(_NL, _NE, _N)

# --- scband reference (transcript-rebuilt; emitter-appended) ---
"""Pipeline reference for scband-l0-module-31920196944313 (READ-ONLY COPY).

The authoritative reference and input builder live on the scoring server;
editing this copy changes nothing except your own understanding.
"""

import jax, jax.numpy as jnp
import numpy as np

NUM_LAYERS = 32
NUM_EXPERTS = 8
EXP_INT = 14336
TARGET_SPARSITY = 0.5
TARGET_MASK_SIZE = 7168  # math.ceil(EXP_INT * (1 - TARGET_SPARSITY))
NUM_ZEROS = EXP_INT - TARGET_MASK_SIZE  # 7168 zeros per group (uniform_sparsity=True)


def ste_relu(x):
    # torch: x + (relu(x) - x).detach() -> forward relu, identity gradient
    return x + jax.lax.stop_gradient(jnp.maximum(x, 0.0) - x)


def setup_inputs(seed: int = 0) -> dict:
    key = jax.random.key(seed)
    # Mask.param_init_fn: normal(mean=1.0, std=0.01)
    z_loga = 1.0 + 0.01 * jax.random.normal(key, (NUM_LAYERS, NUM_EXPERTS, EXP_INT), dtype=jnp.float32)
    return {"z_loga_expert": z_loga}


def reference(z_loga_expert):
    # L0Module forward in eval mode: deterministic_z(uniform_sparsity=True).
    # z_loga.ndim > 1 and uniform_sparsity -> reshape(-1, last), per-row _deterministic_z,
    # stack, reshape to mask_output_shape.
    def per_group(row):
        soft = ste_relu(row)
        # torch.topk(soft, k=NUM_ZEROS, largest=False): smallest NUM_ZEROS entries zeroed
        _, idx = jax.lax.top_k(-soft, NUM_ZEROS)
        return soft.at[idx].set(0.0)

    flat = z_loga_expert.reshape(-1, EXP_INT)
    z = jax.vmap(per_group)(flat)
    return z.reshape(NUM_LAYERS, NUM_EXPERTS, EXP_INT)

if __name__ == "__main__":
    import jax
    _d = setup_inputs()
    print(jax.jit(kernel)(*tuple(_d.values())))

</pallas_src>

<mosaic_0001>
#map = affine_map<(d0, d1) -> (0, 0)>
module attributes {stable_mosaic.version = 14 : i64} {
  func.func @sc_kernel(%arg0: i32, %arg1: i32, %arg2: memref<32x14336xf32, #tpu.memory_space<hbm>>, %arg3: memref<32x14336xf32, #tpu.memory_space<hbm>>, %arg4: memref<14336xf32, #tpu.memory_space<vmem>>, %arg5: memref<14336xi32, #tpu.memory_space<vmem>>, %arg6: memref<!tpu.dma_semaphore, #tpu.memory_space<semaphore_mem>>) attributes {dimension_semantics = [#tpu.dimension_semantics<core_parallel>, #tpu.dimension_semantics<subcore_parallel>], iteration_bounds = array<i64: 2, 16>, scalar_prefetch = 0 : i64, scratch_operands = 3 : i64, tpu.core_type = #tpu.core_type<sc_vector_subcore>, window_params = [{transform_indices = #map}, {transform_indices = #map}]} {
    %mul3A = arith.constant 2 : i32
    %mul3A_0 = arith.muli %arg1, %mul3A : i32
    %add3A = arith.addi %mul3A_0, %arg0 : i32
    %mul3A_1 = arith.constant 1 : i32
    %mul3A_2 = arith.muli %add3A, %mul3A_1 : i32
    %add3A_3 = arith.constant 0 : i32
    %add3A_4 = arith.addi %mul3A_2, %add3A_3 : i32
    %dma_start3A = arith.constant 0 : i32
    %dma_start3A_5 = tpu.memref_slice %arg2[%add3A_4, %dma_start3A] : memref<32x14336xf32, #tpu.memory_space<hbm>> -> memref<1x14336xf32, #tpu.memory_space<hbm>>
    %dma_start3A_6 = tpu.memref_squeeze %dma_start3A_5 : memref<1x14336xf32, #tpu.memory_space<hbm>> -> memref<14336xf32, #tpu.memory_space<hbm>>
    %dma_start3A_7 = arith.constant 0 : i32
    %dma_start3A_8 = tpu.memref_slice %arg2[%add3A_4, %dma_start3A_7] : memref<32x14336xf32, #tpu.memory_space<hbm>> -> memref<1x14336xf32, #tpu.memory_space<hbm>>
    %dma_start3A_9 = tpu.memref_squeeze %dma_start3A_8 : memref<1x14336xf32, #tpu.memory_space<hbm>> -> memref<14336xf32, #tpu.memory_space<hbm>>
    tpu.enqueue_dma source(%dma_start3A_9 : memref<14336xf32, #tpu.memory_space<hbm>>) target(%arg4 : memref<14336xf32, #tpu.memory_space<vmem>>) target_semaphore(%arg6 : memref<!tpu.dma_semaphore, #tpu.memory_space<semaphore_mem>>)
    %dma_wait3A = arith.constant 0 : i32
    %dma_wait3A_10 = tpu.memref_slice %arg2[%add3A_4, %dma_wait3A] : memref<32x14336xf32, #tpu.memory_space<hbm>> -> memref<1x14336xf32, #tpu.memory_space<hbm>>
    %dma_wait3A_11 = tpu.memref_squeeze %dma_wait3A_10 : memref<1x14336xf32, #tpu.memory_space<hbm>> -> memref<14336xf32, #tpu.memory_space<hbm>>
    %dma_wait3A_12 = arith.constant 0 : i32
    %dma_wait3A_13 = tpu.memref_slice %arg2[%add3A_4, %dma_wait3A_12] : memref<32x14336xf32, #tpu.memory_space<hbm>> -> memref<1x14336xf32, #tpu.memory_space<hbm>>
    %dma_wait3A_14 = tpu.memref_squeeze %dma_wait3A_13 : memref<1x14336xf32, #tpu.memory_space<hbm>> -> memref<14336xf32, #tpu.memory_space<hbm>>
    tpu.wait_dma2 semaphore(%arg6 : memref<!tpu.dma_semaphore, #tpu.memory_space<semaphore_mem>>) src(%dma_wait3A_14 : memref<14336xf32, #tpu.memory_space<hbm>>) dst(%arg4 : memref<14336xf32, #tpu.memory_space<vmem>>)
    %parallel_loop3A = arith.constant 0 : i32
    %parallel_loop3A_15 = arith.constant 14336 : i32
    %parallel_loop3A_16 = arith.constant 16 : i32
    scf.for %parallel_loop3A_53 = %parallel_loop3A to %parallel_loop3A_15 step %parallel_loop3A_16  : i32 {
      %parallel_loop3A_54 = arith.index_cast %parallel_loop3A_53 : i32 to index
      %parallel_loop3A_55 = tpu.vector_load %arg4[%parallel_loop3A_54] {strides = array<i32>} : memref<14336xf32, #tpu.memory_space<vmem>>, vector<16xf32>,
      %parallel_loop3A_56 = arith.constant 0.000000e+00 : f32
      %parallel_loop3A_57 = vector.broadcast %parallel_loop3A_56 : f32 to vector<16xf32>
      %parallel_loop3A_58 = arith.maximumf %parallel_loop3A_55, %parallel_loop3A_57 : vector<16xf32>
      %parallel_loop3A_59 = tpu.bitcast %parallel_loop3A_58 : vector<16xf32> -> vector<16xi32>
      %parallel_loop3A_60 = arith.index_cast %parallel_loop3A_53 : i32 to index
      %parallel_loop3A_61 = tpu.vector_load %arg5[%parallel_loop3A_60] {strides = array<i32>} : memref<14336xi32, #tpu.memory_space<vmem>>, vector<16xi32>,
      tpu.vector_store %arg5[%parallel_loop3A_60], %parallel_loop3A_59 {strides = array<i32>} : memref<14336xi32, #tpu.memory_space<vmem>>, vector<16xi32>,
    } {sc.loop_unroll_factor = 8 : i64, sc.parallel_access}
    %broadcast_in_dim3A = arith.constant 2139095040 : i32
    %broadcast_in_dim3A_17 = vector.broadcast %broadcast_in_dim3A : i32 to vector<16xi32>
    %broadcast_in_dim3A_18 = arith.constant 0 : i32
    %broadcast_in_dim3A_19 = vector.broadcast %broadcast_in_dim3A_18 : i32 to vector<16xi32>
    %parallel_loop3A_20 = arith.constant 0 : i32
    %parallel_loop3A_21 = arith.constant 14336 : i32
    %parallel_loop3A_22 = arith.constant 16 : i32
    %parallel_loop3A_23:2 = scf.for %parallel_loop3A_53 = %parallel_loop3A_20 to %parallel_loop3A_21 step %parallel_loop3A_22 iter_args(%parallel_loop3A_54 = %broadcast_in_dim3A_17, %parallel_loop3A_55 = %broadcast_in_dim3A_19) -> (vector<16xi32>, vector<16xi32>)  : i32 {
      %parallel_loop3A_56 = arith.index_cast %parallel_loop3A_53 : i32 to index
      %parallel_loop3A_57 = tpu.vector_load %arg5[%parallel_loop3A_56] {strides = array<i32>} : memref<14336xi32, #tpu.memory_space<vmem>>, vector<16xi32>,
      %parallel_loop3A_58 = arith.minsi %parallel_loop3A_54, %parallel_loop3A_57 : vector<16xi32>
      %parallel_loop3A_59 = arith.maxsi %parallel_loop3A_55, %parallel_loop3A_57 : vector<16xi32>
      scf.yield %parallel_loop3A_58, %parallel_loop3A_59 : vector<16xi32>, vector<16xi32>
    } {sc.loop_unroll_factor = 8 : i64, sc.parallel_access}
    %reduce_min3A = arith.constant true
    %reduce_min3A_24 = vector.broadcast %reduce_min3A : i1 to vector<16xi1>
    %reduce_min3A_25 = arith.constant -2147483648 : i32
    %reduce_min3A_26 = vector.broadcast %reduce_min3A_25 : i32 to vector<16xi32>
    %reduce_min3A_27 = arith.xori %parallel_loop3A_23#0, %reduce_min3A_26 : vector<16xi32>
    %reduce_min3A_28 = tpu.scan <min>, %reduce_min3A_27 masked %reduce_min3A_24 : vector<16xi32>, vector<16xi1> -> vector<16xi32>
    %reduce_min3A_29 = arith.xori %reduce_min3A_28, %reduce_min3A_26 : vector<16xi32>
    %reduce_min3A_30 = vector.extract %reduce_min3A_29[15] : i32 from vector<16xi32>
    %reduce_max3A = arith.constant true
    %reduce_max3A_31 = vector.broadcast %reduce_max3A : i1 to vector<16xi1>
    %reduce_max3A_32 = arith.constant -2147483648 : i32
    %reduce_max3A_33 = vector.broadcast %reduce_max3A_32 : i32 to vector<16xi32>
    %reduce_max3A_34 = arith.xori %parallel_loop3A_23#1, %reduce_max3A_33 : vector<16xi32>
    %reduce_max3A_35 = tpu.scan <max>, %reduce_max3A_34 masked %reduce_max3A_31 : vector<16xi32>, vector<16xi1> -> vector<16xi32>
    %reduce_max3A_36 = arith.xori %reduce_max3A_35, %reduce_max3A_33 : vector<16xi32>
    %reduce_max3A_37 = vector.extract %reduce_max3A_36[15] : i32 from vector<16xi32>
    %while3A:2 = scf.while (%while3A_53 = %reduce_min3A_30, %while3A_54 = %reduce_max3A_37) : (i32, i32) -> (i32, i32) {
      %lt3A = arith.cmpi slt, %while3A_53, %while3A_54 : i32
      scf.condition(%lt3A) %while3A_53, %while3A_54 : i32, i32
    } do {
    ^bb0(%while3A_53: i32, %while3A_54: i32):
      %sub3A = arith.subi %while3A_54, %while3A_53 : i32
      %jit3A = arith.constant 2 : i32
      %div3A = arith.divsi %sub3A, %jit3A : i32
      %sign3A = arith.constant 0 : i32
      %sign3A_55 = arith.cmpi sgt, %sub3A, %sign3A : i32
      %sign3A_56 = arith.extui %sign3A_55 : i1 to i32
      %sign3A_57 = arith.constant 0 : i32
      %sign3A_58 = arith.cmpi slt, %sub3A, %sign3A_57 : i32
      %sign3A_59 = arith.extui %sign3A_58 : i1 to i32
      %sign3A_60 = arith.subi %sign3A_56, %sign3A_59 : i32
      %sign3A_61 = arith.constant 0 : i32
      %sign3A_62 = arith.cmpi sgt, %jit3A, %sign3A_61 : i32
      %sign3A_63 = arith.extui %sign3A_62 : i1 to i32
      %sign3A_64 = arith.constant 0 : i32
      %sign3A_65 = arith.cmpi slt, %jit3A, %sign3A_64 : i32
      %sign3A_66 = arith.extui %sign3A_65 : i1 to i32
      %sign3A_67 = arith.subi %sign3A_63, %sign3A_66 : i32
      %ne3A = arith.cmpi ne, %sign3A_60, %sign3A_67 : i32
      %rem3A = arith.remsi %sub3A, %jit3A : i32
      %ne3A_68 = arith.constant 0 : i32
      %ne3A_69 = arith.cmpi ne, %rem3A, %ne3A_68 : i32
      %and3A = arith.andi %ne3A, %ne3A_69 : i1
      %sub3A_70 = arith.constant 1 : i32
      %sub3A_71 = arith.subi %div3A, %sub3A_70 : i32
      %select_n3A = arith.select %and3A, %sub3A_71, %div3A : i32
      %add3A_72 = arith.addi %while3A_53, %select_n3A : i32
      %broadcast_in_dim3A_73 = arith.constant 0 : i32
      %broadcast_in_dim3A_74 = vector.broadcast %broadcast_in_dim3A_73 : i32 to vector<16xi32>
      %parallel_loop3A_75 = arith.constant 0 : i32
      %parallel_loop3A_76 = arith.constant 14336 : i32
      %parallel_loop3A_77 = arith.constant 16 : i32
      %parallel_loop3A_78 = scf.for %parallel_loop3A_87 = %parallel_loop3A_75 to %parallel_loop3A_76 step %parallel_loop3A_77 iter_args(%parallel_loop3A_88 = %broadcast_in_dim3A_74) -> (vector<16xi32>)  : i32 {
        %parallel_loop3A_89 = arith.index_cast %parallel_loop3A_87 : i32 to index
        %parallel_loop3A_90 = tpu.vector_load %arg5[%parallel_loop3A_89] {strides = array<i32>} : memref<14336xi32, #tpu.memory_space<vmem>>, vector<16xi32>,
        %parallel_loop3A_91 = vector.broadcast %add3A_72 : i32 to vector<16xi32>
        %parallel_loop3A_92 = arith.cmpi sle, %parallel_loop3A_90, %parallel_loop3A_91 : vector<16xi32>
        %parallel_loop3A_93 = arith.constant 1 : i32
        %parallel_loop3A_94 = arith.constant 0 : i32
        %parallel_loop3A_95 = vector.broadcast %parallel_loop3A_93 : i32 to vector<16xi32>
        %parallel_loop3A_96 = vector.broadcast %parallel_loop3A_94 : i32 to vector<16xi32>
        %parallel_loop3A_97 = arith.select %parallel_loop3A_92, %parallel_loop3A_95, %parallel_loop3A_96 : vector<16xi1>, vector<16xi32>
        %parallel_loop3A_98 = arith.addi %parallel_loop3A_88, %parallel_loop3A_97 : vector<16xi32>
        scf.yield %parallel_loop3A_98 : vector<16xi32>
      } {sc.loop_unroll_factor = 8 : i64, sc.parallel_access}
      %reduce_sum3A = arith.constant true
      %reduce_sum3A_79 = vector.broadcast %reduce_sum3A : i1 to vector<16xi1>
      %reduce_sum3A_80 = tpu.scan <sum>, %parallel_loop3A_78 masked %reduce_sum3A_79 : vector<16xi32>, vector<16xi1> -> vector<16xi32>
      %reduce_sum3A_81 = vector.extract %reduce_sum3A_80[15] : i32 from vector<16xi32>
      %ge3A = arith.constant 7168 : i32
      %ge3A_82 = arith.cmpi sge, %reduce_sum3A_81, %ge3A : i32
      %add3A_83 = arith.constant 1 : i32
      %add3A_84 = arith.addi %add3A_72, %add3A_83 : i32
      %select_n3A_85 = arith.select %ge3A_82, %while3A_53, %add3A_84 : i32
      %select_n3A_86 = arith.select %ge3A_82, %add3A_72, %while3A_54 : i32
      scf.yield %select_n3A_85, %select_n3A_86 : i32, i32
    }
    %parallel_loop3A_38 = arith.constant 0 : i32
    %parallel_loop3A_39 = arith.constant 14336 : i32
    %parallel_loop3A_40 = arith.constant 16 : i32
    scf.for %parallel_loop3A_53 = %parallel_loop3A_38 to %parallel_loop3A_39 step %parallel_loop3A_40  : i32 {
      %parallel_loop3A_54 = arith.index_cast %parallel_loop3A_53 : i32 to index
      %parallel_loop3A_55 = tpu.vector_load %arg5[%parallel_loop3A_54] {strides = array<i32>} : memref<14336xi32, #tpu.memory_space<vmem>>, vector<16xi32>,
      %parallel_loop3A_56 = vector.broadcast %while3A#0 : i32 to vector<16xi32>
      %parallel_loop3A_57 = arith.cmpi sle, %parallel_loop3A_55, %parallel_loop3A_56 : vector<16xi32>
      %parallel_loop3A_58 = arith.constant 0 : i32
      %parallel_loop3A_59 = vector.broadcast %parallel_loop3A_58 : i32 to vector<16xi32>
      %parallel_loop3A_60 = arith.select %parallel_loop3A_57, %parallel_loop3A_59, %parallel_loop3A_55 : vector<16xi1>, vector<16xi32>
      %parallel_loop3A_61 = tpu.bitcast %parallel_loop3A_60 : vector<16xi32> -> vector<16xf32>
      %parallel_loop3A_62 = arith.index_cast %parallel_loop3A_53 : i32 to index
      %parallel_loop3A_63 = tpu.vector_load %arg4[%parallel_loop3A_62] {strides = array<i32>} : memref<14336xf32, #tpu.memory_space<vmem>>, vector<16xf32>,
      tpu.vector_store %arg4[%parallel_loop3A_62], %parallel_loop3A_61 {strides = array<i32>} : memref<14336xf32, #tpu.memory_space<vmem>>, vector<16xf32>,
    } {sc.loop_unroll_factor = 8 : i64, sc.parallel_access}
    %dma_start3A_41 = arith.constant 0 : i32
    %dma_start3A_42 = tpu.memref_slice %arg3[%add3A_4, %dma_start3A_41] : memref<32x14336xf32, #tpu.memory_space<hbm>> -> memref<1x14336xf32, #tpu.memory_space<hbm>>
    %dma_start3A_43 = tpu.memref_squeeze %dma_start3A_42 : memref<1x14336xf32, #tpu.memory_space<hbm>> -> memref<14336xf32, #tpu.memory_space<hbm>>
    %dma_start3A_44 = arith.constant 0 : i32
    %dma_start3A_45 = tpu.memref_slice %arg3[%add3A_4, %dma_start3A_44] : memref<32x14336xf32, #tpu.memory_space<hbm>> -> memref<1x14336xf32, #tpu.memory_space<hbm>>
    %dma_start3A_46 = tpu.memref_squeeze %dma_start3A_45 : memref<1x14336xf32, #tpu.memory_space<hbm>> -> memref<14336xf32, #tpu.memory_space<hbm>>
    tpu.enqueue_dma source(%arg4 : memref<14336xf32, #tpu.memory_space<vmem>>) target(%dma_start3A_46 : memref<14336xf32, #tpu.memory_space<hbm>>) target_semaphore(%arg6 : memref<!tpu.dma_semaphore, #tpu.memory_space<semaphore_mem>>)
    %dma_wait3A_47 = arith.constant 0 : i32
    %dma_wait3A_48 = tpu.memref_slice %arg3[%add3A_4, %dma_wait3A_47] : memref<32x14336xf32, #tpu.memory_space<hbm>> -> memref<1x14336xf32, #tpu.memory_space<hbm>>
    %dma_wait3A_49 = tpu.memref_squeeze %dma_wait3A_48 : memref<1x14336xf32, #tpu.memory_space<hbm>> -> memref<14336xf32, #tpu.memory_space<hbm>>
    %dma_wait3A_50 = arith.constant 0 : i32
    %dma_wait3A_51 = tpu.memref_slice %arg3[%add3A_4, %dma_wait3A_50] : memref<32x14336xf32, #tpu.memory_space<hbm>> -> memref<1x14336xf32, #tpu.memory_space<hbm>>
    %dma_wait3A_52 = tpu.memref_squeeze %dma_wait3A_51 : memref<1x14336xf32, #tpu.memory_space<hbm>> -> memref<14336xf32, #tpu.memory_space<hbm>>
    tpu.wait_dma2 semaphore(%arg6 : memref<!tpu.dma_semaphore, #tpu.memory_space<semaphore_mem>>) src(%arg4 : memref<14336xf32, #tpu.memory_space<vmem>>) dst(%dma_wait3A_52 : memref<14336xf32, #tpu.memory_space<hbm>>)
    return
  }
}

module attributes {stable_mosaic.version = 14 : i64} {
  func.func @_tc_body(%arg0: i32, %arg1: memref<32x14336xf32, #tpu.memory_space<vmem>>, %arg2: memref<32x14336xf32, #tpu.memory_space<vmem>>, %arg3: memref<32x14336xi32, #tpu.memory_space<vmem>>) attributes {dimension_semantics = [#tpu.dimension_semantics<parallel>], iteration_bounds = array<i64: 7>, scalar_prefetch = 0 : i64, scratch_operands = 1 : i64, tpu.core_type = #tpu.core_type<tc>, window_params = [{transform_indices = @transform_0, window_bounds = array<i64: 32, 14336>}, {transform_indices = @transform_1, window_bounds = array<i64: 32, 14336>}]} {
    %get3A = arith.constant 0 : index
    %get3A_0 = arith.constant 0 : index
    %get3A_1 = vector.load %arg1[%get3A, %get3A_0] : memref<32x14336xf32, #tpu.memory_space<vmem>>, vector<32x14336xf32>
    %max3A = arith.constant 0.000000e+00 : f32
    %max3A_2 = vector.broadcast %max3A : f32 to vector<32x14336xf32>
    %max3A_3 = arith.maximumf %get3A_1, %max3A_2 : vector<32x14336xf32>
    %bitcast_convert_type3A = tpu.bitcast %max3A_3 : vector<32x14336xf32> -> vector<32x14336xi32>
    %swap3A = arith.constant 0 : index
    %swap3A_4 = arith.constant 0 : index
    %swap3A_5 = vector.load %arg3[%swap3A, %swap3A_4] : memref<32x14336xi32, #tpu.memory_space<vmem>>, vector<32x14336xi32>
    tpu.vector_store %arg3[%swap3A, %swap3A_4], %bitcast_convert_type3A {strides = array<i32>} : memref<32x14336xi32, #tpu.memory_space<vmem>>, vector<32x14336xi32>,
    %reduce_min3A = arith.constant dense<2147483647> : vector<32xi32>
    %reduce_min3A_6 = vector.multi_reduction <minsi>, %bitcast_convert_type3A, %reduce_min3A [1] : vector<32x14336xi32> to vector<32xi32>
    %broadcast_in_dim3A = vector.shape_cast %reduce_min3A_6 : vector<32xi32> to vector<32x1xi32>
    %reduce_max3A = arith.constant dense<-2147483648> : vector<32xi32>
    %reduce_max3A_7 = vector.multi_reduction <maxsi>, %bitcast_convert_type3A, %reduce_max3A [1] : vector<32x14336xi32> to vector<32xi32>
    %broadcast_in_dim3A_8 = vector.shape_cast %reduce_max3A_7 : vector<32xi32> to vector<32x1xi32>
    %while3A:2 = scf.while (%while3A_17 = %broadcast_in_dim3A, %while3A_18 = %broadcast_in_dim3A_8) : (vector<32x1xi32>, vector<32x1xi32>) -> (vector<32x1xi32>, vector<32x1xi32>) {
      %lt3A = arith.cmpi slt, %while3A_17, %while3A_18 : vector<32x1xi32>
      %reduce_or3A = arith.constant 1.000000e+00 : f32
      %reduce_or3A_19 = arith.constant 0.000000e+00 : f32
      %reduce_or3A_20 = vector.broadcast %reduce_or3A : f32 to vector<32x1xf32>
      %reduce_or3A_21 = vector.broadcast %reduce_or3A_19 : f32 to vector<32x1xf32>
      %reduce_or3A_22 = arith.select %lt3A, %reduce_or3A_20, %reduce_or3A_21 : vector<32x1xi1>, vector<32x1xf32>
      %reduce_or3A_23 = vector.shape_cast %reduce_or3A_22 : vector<32x1xf32> to vector<1x32x1xf32>
      %reduce_or3A_24 = arith.constant dense<0xFF800000> : vector<1xf32>
      %reduce_or3A_25 = vector.multi_reduction <maximumf>, %reduce_or3A_23, %reduce_or3A_24 [1, 2] : vector<1x32x1xf32> to vector<1xf32>
      %reduce_or3A_26 = vector.shape_cast %reduce_or3A_25 : vector<1xf32> to vector<1x1x1xf32>
      %reduce_or3A_27 = vector.extract %reduce_or3A_26[0, 0, 0] : f32 from vector<1x1x1xf32>
      %reduce_or3A_28 = arith.constant 0.000000e+00 : f32
      %reduce_or3A_29 = arith.cmpf ogt, %reduce_or3A_27, %reduce_or3A_28 : f32
      scf.condition(%reduce_or3A_29) %while3A_17, %while3A_18 : vector<32x1xi32>, vector<32x1xi32>
    } do {
    ^bb0(%while3A_17: vector<32x1xi32>, %while3A_18: vector<32x1xi32>):
      %sub3A = arith.subi %while3A_18, %while3A_17 : vector<32x1xi32>
      %jit3A_19 = arith.constant 2 : i32
      %div3A = vector.broadcast %jit3A_19 : i32 to vector<32x1xi32>
      %div3A_20 = arith.divsi %sub3A, %div3A : vector<32x1xi32>
      %sign3A = arith.constant 0 : i32
      %sign3A_21 = vector.broadcast %sign3A : i32 to vector<32x1xi32>
      %sign3A_22 = arith.cmpi sgt, %sub3A, %sign3A_21 : vector<32x1xi32>
      %sign3A_23 = arith.extui %sign3A_22 : vector<32x1xi1> to vector<32x1xi32>
      %sign3A_24 = arith.constant 0 : i32
      %sign3A_25 = vector.broadcast %sign3A_24 : i32 to vector<32x1xi32>
      %sign3A_26 = arith.cmpi slt, %sub3A, %sign3A_25 : vector<32x1xi32>
      %sign3A_27 = arith.extui %sign3A_26 : vector<32x1xi1> to vector<32x1xi32>
      %sign3A_28 = arith.subi %sign3A_23, %sign3A_27 : vector<32x1xi32>
      %sign3A_29 = arith.constant 0 : i32
      %sign3A_30 = arith.cmpi sgt, %jit3A_19, %sign3A_29 : i32
      %sign3A_31 = arith.extui %sign3A_30 : i1 to i32
      %sign3A_32 = arith.constant 0 : i32
      %sign3A_33 = arith.cmpi slt, %jit3A_19, %sign3A_32 : i32
      %sign3A_34 = arith.extui %sign3A_33 : i1 to i32
      %sign3A_35 = arith.subi %sign3A_31, %sign3A_34 : i32
      %ne3A = vector.broadcast %sign3A_35 : i32 to vector<32x1xi32>
      %ne3A_36 = arith.cmpi ne, %sign3A_28, %ne3A : vector<32x1xi32>
      %rem3A = vector.broadcast %jit3A_19 : i32 to vector<32x1xi32>
      %rem3A_37 = arith.remsi %sub3A, %rem3A : vector<32x1xi32>
      %ne3A_38 = arith.constant 0 : i32
      %ne3A_39 = vector.broadcast %ne3A_38 : i32 to vector<32x1xi32>
      %ne3A_40 = arith.cmpi ne, %rem3A_37, %ne3A_39 : vector<32x1xi32>
      %and3A = arith.andi %ne3A_36, %ne3A_40 : vector<32x1xi1>
      %sub3A_41 = arith.constant 1 : i32
      %sub3A_42 = vector.broadcast %sub3A_41 : i32 to vector<32x1xi32>
      %sub3A_43 = arith.subi %div3A_20, %sub3A_42 : vector<32x1xi32>
      %select_n3A_44 = arith.select %and3A, %sub3A_43, %div3A_20 : vector<32x1xi1>, vector<32x1xi32>
      %add3A = arith.addi %while3A_17, %select_n3A_44 : vector<32x1xi32>
      %get3A_45 = arith.constant 0 : index
      %get3A_46 = arith.constant 0 : index
      %get3A_47 = vector.load %arg3[%get3A_45, %get3A_46] : memref<32x14336xi32, #tpu.memory_space<vmem>>, vector<32x14336xi32>
      %le3A_48 = vector.broadcast %add3A : vector<32x1xi32> to vector<32x14336xi32>
      %le3A_49 = arith.cmpi sle, %get3A_47, %le3A_48 : vector<32x14336xi32>
      %convert_element_type3A = arith.extui %le3A_49 : vector<32x14336xi1> to vector<32x14336xi32>
      %reduce_sum3A = arith.constant dense<0> : vector<32xi32>
      %reduce_sum3A_50 = vector.multi_reduction <add>, %convert_element_type3A, %reduce_sum3A [1] : vector<32x14336xi32> to vector<32xi32>
      %broadcast_in_dim3A_51 = vector.shape_cast %reduce_sum3A_50 : vector<32xi32> to vector<32x1xi32>
      %ge3A = arith.constant 7168 : i32
      %ge3A_52 = vector.broadcast %ge3A : i32 to vector<32x1xi32>
      %ge3A_53 = arith.cmpi sge, %broadcast_in_dim3A_51, %ge3A_52 : vector<32x1xi32>
      %add3A_54 = arith.constant 1 : i32
      %add3A_55 = vector.broadcast %add3A_54 : i32 to vector<32x1xi32>
      %add3A_56 = arith.addi %add3A, %add3A_55 : vector<32x1xi32>
      %select_n3A_57 = arith.select %ge3A_53, %while3A_17, %add3A_56 : vector<32x1xi1>, vector<32x1xi32>
      %select_n3A_58 = arith.select %ge3A_53, %add3A, %while3A_18 : vector<32x1xi1>, vector<32x1xi32>
      scf.yield %select_n3A_57, %select_n3A_58 : vector<32x1xi32>, vector<32x1xi32>
    }
    %get3A_9 = arith.constant 0 : index
    %get3A_10 = arith.constant 0 : index
    %get3A_11 = vector.load %arg3[%get3A_9, %get3A_10] : memref<32x14336xi32, #tpu.memory_space<vmem>>, vector<32x14336xi32>
    %le3A = vector.broadcast %while3A#0 : vector<32x1xi32> to vector<32x14336xi32>
    %le3A_12 = arith.cmpi sle, %get3A_11, %le3A : vector<32x14336xi32>
    %jit3A = arith.constant 0.000000e+00 : f32
    %broadcast_in_dim3A_13 = vector.broadcast %jit3A : f32 to vector<32x14336xf32>
    %select_n3A = arith.select %le3A_12, %broadcast_in_dim3A_13, %max3A_3 : vector<32x14336xi1>, vector<32x14336xf32>
    %swap3A_14 = arith.constant 0 : index
    %swap3A_15 = arith.constant 0 : index
    %swap3A_16 = vector.load %arg2[%swap3A_14, %swap3A_15] : memref<32x14336xf32, #tpu.memory_space<vmem>>, vector<32x14336xf32>
    tpu.vector_store %arg2[%swap3A_14, %swap3A_15], %select_n3A {strides = array<i32>} : memref<32x14336xf32, #tpu.memory_space<vmem>>, vector<32x14336xf32>,
    return
  }
  func.func @transform_0(%arg0: i32) -> (i32, i32) {
    %c0_i32 = arith.constant 0 : i32
    %c0_i32_0 = arith.constant 0 : i32
    return %arg0, %c0_i32 : i32, i32
  }
  func.func @transform_1(%arg0: i32) -> (i32, i32) {
    %c0_i32 = arith.constant 0 : i32
    %c0_i32_0 = arith.constant 0 : i32
    return %arg0, %c0_i32 : i32, i32
  }
}

</mosaic_0001>

<sc_bundles>
// kernel: kernel.4.cloned.1.call-start
scs
__scs_entry_jumppad:
0x0: {  	(pc) =	sbr.rel $0x88, $3  }
0x1: {  	(tag) =	ssettag $0x0;
	lr =	simm.s32 $0x1  }
0x2: {  	[smem:$0x3FA0] =	sst lr;
	_ =	strace $0xD0000000  }
0x3: {  	_ = 	snop  }
0x4: {  	_ = 	snop  }
0x5: {  	_ = 	snop  }
0x6: {  	_ = 	snop  }
0x7: {  	_ = 	snop  }
__scs_overlays_trampoline_lowered:
0x8: {  	[smem:$0x3FAF] =	sst s0  }
0x9: {  	[smem:$0x3FB0] =	sst s1  }
0xa: {  	[smem:$0x3FB1] =	sst s2  }
0xb: {  	[smem:$0x3FB2] =	sst s3  }
0xc: {  	[smem:$0x3FB3] =	sst s4  }
0xd: {  	[smem:$0x3FB4] =	sst s5  }
0xe: {  	[smem:$0x3FB5] =	sst s6  }
0xf: {  	[smem:$0x3FB6] =	sst s7  }
0x10: {  	[smem:$0x3FB7] =	sst s8  }
0x11: {  	[smem:$0x3FB8] =	sst s9;
	s0 =	simm.s32 @!p0 $0x0  }
0x12: {  	s1 =	sld [smem:$0x3F9E];
	s0 =	simm.s32 @p0 $0x1  }
0x13: {  	[smem:$0x3FB9] =	sst s0;
	s0 =	simm.s32 @!p1 $0x0  }
0x14: {  	s2 =	sld [smem:$0x3F9D];
	s0 =	simm.s32 @p1 $0x1  }
0x15: {  	[smem:$0x3FBA] =	sst s0;
	s0 =	simm.s32 @!p2 $0x0  }
0x16: {  	s3 =	sld [smem:$0x3FDB];
	s0 =	simm.s32 @p2 $0x1  }
0x17: {  	s4 =	simm.s32 $0x1BF5;
	[smem:$0x3FBC] =	sst s0  }
0x18: {  	s0 =	sld [smem:$0x3F9F];
	_ =	swait.ge [sflag:s4], $0x0  }
0x19: {  	s7 =	sld [smem:$0x3FA0]  }
0x1a: {  	s8 =	sadd.s32 $0xFFFFE003, lr  }
0x1b: {  	s9 =	sadd.s32 $0xFFFFFEF7, lr;
	s5 =	simm.s32 $0xFFFFFFFF;
	p2 =	slt.u32 s8, $0xFFFFF086  }
0x1c: {  	p1 =	slt.u32 s9, $0xF7A;
	s5 =	simm.s32 @!p2 $0x0  }
0x1d: {  	s5 =	simm.s32 @p1 $0x1;
	p0 =	seq.s32 s7, s2  }
0x1e: {  	s7 =	smul.u32 @!p0 $0xF7A, s2;
	p2 =	seq.s32 @!p0 s5, $0x0  }
0x1f: {  	s9 =	smul.u32 $0xF7A, s1;
	s8 =	simm.s32 @!p0 $0x1BF5;
	p2 =	por !p2, p0  }
0x20: {  	[sflag:s8] =	ssyncset.s32 @!p0 $0xFFFFF086;
	s6 =	sadd.s32 @!p0 s3, s7;
	s7 =	simm.s32 @!p0 $0x108  }
0x21: {  	s3 =	sadd.s32 s3, s9;
	s6 =	sadd.s32 @!p0 $0x88, s6;
	s7 =	simm.s32 @p2 $0x1082  }
0x22: {  	[simem:s7], [sflag:s8] =	dma.local @!p0 [hbm:s6], $0xF7A  }
0x23: {  	s9 =	sor.u32 $0xD0000000, s2;
	s6 =	simm.s32 $0x108;
	_ =	swait.ge @!p0 [sflag:s8], $0x0  }
0x24: {  	s3 =	sadd.s32 $0x88, s3;
	s6 =	simm.s32 @!p1 $0x1082;
	[sflag:s4] =	ssyncset.s32 $0xFFFFF086  }
0x25: {  	[simem:s6], [sflag:s4] =	dma.local [hbm:s3], $0xF7A  }
0x26: {  	[smem:$0x3FA0] =	sst s1;
	(tag) =	ssettag s2;
	_ =	strace s9  }
0x27: {  	s1 =	sld [smem:$0x3FB0]  }
0x28: {  	s2 =	sld [smem:$0x3FB1]  }
0x29: {  	s4 =	sld [smem:$0x3FB3]  }
0x2a: {  	p0 =	seq.s32 s5, $0x0;
	s5 =	sld [smem:$0x3FB4]  }
0x2b: {  	s6 =	sld [smem:$0x3FB5]  }
0x2c: {  	s7 =	sld [smem:$0x3FB6]  }
0x2d: {  	s3 =	simm.s32 $0x108;
	s8 =	sld [smem:$0x3FB7]  }
0x2e: {  	s3 =	simm.s32 @!p0 $0x1082;
	s9 =	sld [smem:$0x3FB8]  }
0x2f: {  	lr =	sadd.s32 s0, s3;
	s0 =	sld [smem:$0x3FAF]  }
0x30: {  	s3 =	sld [smem:$0x3FB2]  }
0x31: {  	[smem:$0x3FBB] =	sst s10  }
0x32: {  	s10 =	sld [smem:$0x3FB9];
	_ =	sdelay $0x3  }
0x33: {  	p0 =	seq.s32 s10, $0x1;
	s10 =	sld [smem:$0x3FBB];
	_ =	sdelay $0x3  }
0x34: {  	[smem:$0x3FBB] =	sst s10  }
0x35: {  	s10 =	sld [smem:$0x3FBA];
	_ =	sdelay $0x3  }
0x36: {  	p1 =	seq.s32 s10, $0x1;
	s10 =	sld [smem:$0x3FBB];
	_ =	sdelay $0x3  }
0x37: {  	[smem:$0x3FBB] =	sst s10  }
0x38: {  	s10 =	sld [smem:$0x3FBC]  }
0x39: {  	_ = 	snop;
	(pc) =	sbr.ind lr, $3  }
0x3a: {  	_ = 	snop  }
0x3b: {  	_ = 	snop  }
0x3c: {  	p2 =	seq.s32 s10, $0x1;
	s10 =	sld [smem:$0x3FBB]  }
0x3d: {  	_ =	shalt  }
0x3e: {  	_ =	shalt  }
0x3f: {  	_ =	shalt  }
0x40: {  	_ =	shalt  }
0x41: {  	_ =	shalt  }
0x42: {  	_ =	shalt  }
0x43: {  	_ =	shalt  }
0x44: {  	_ =	shalt  }
0x45: {  	_ =	shalt  }
0x46: {  	_ =	shalt  }
0x47: {  	_ =	shalt  }
0x48: {  	_ =	shalt  }
0x49: {  	_ =	shalt  }
0x4a: {  	_ =	shalt  }
0x4b: {  	_ =	shalt  }
0x4c: {  	_ =	shalt  }
0x4d: {  	_ =	shalt  }
0x4e: {  	_ =	shalt  }
0x4f: {  	_ =	shalt  }
0x50: {  	_ =	shalt  }
0x51: {  	_ =	shalt  }
0x52: {  	_ =	shalt  }
0x53: {  	_ =	shalt  }
0x54: {  	_ =	shalt  }
0x55: {  	_ =	shalt  }
0x56: {  	_ =	shalt  }
0x57: {  	_ =	shalt  }
0x58: {  	_ =	shalt  }
0x59: {  	_ =	shalt  }
0x5a: {  	_ =	shalt  }
0x5b: {  	_ =	shalt  }
0x5c: {  	_ =	shalt  }
0x5d: {  	_ =	shalt  }
0x5e: {  	_ =	shalt  }
0x5f: {  	_ =	shalt  }
0x60: {  	_ =	shalt  }
0x61: {  	_ =	shalt  }
0x62: {  	_ =	shalt  }
0x63: {  	_ =	shalt  }
0x64: {  	_ =	shalt  }
0x65: {  	_ =	shalt  }
0x66: {  	_ =	shalt  }
0x67: {  	_ =	shalt  }
0x68: {  	_ =	shalt  }
0x69: {  	_ =	shalt  }
0x6a: {  	_ =	shalt  }
0x6b: {  	_ =	shalt  }
0x6c: {  	_ =	shalt  }
0x6d: {  	_ =	shalt  }
0x6e: {  	_ =	shalt  }
0x6f: {  	_ =	shalt  }
0x70: {  	_ =	shalt  }
0x71: {  	_ =	shalt  }
0x72: {  	_ =	shalt  }
0x73: {  	_ =	shalt  }
0x74: {  	_ =	shalt  }
0x75: {  	_ =	shalt  }
0x76: {  	_ =	shalt  }
0x77: {  	_ =	shalt  }
0x78: {  	_ =	shalt  }
0x79: {  	_ =	shalt  }
0x7a: {  	_ =	shalt  }
0x7b: {  	_ =	shalt  }
0x7c: {  	_ =	shalt  }
0x7d: {  	_ =	shalt  }
0x7e: {  	_ =	shalt  }
0x7f: {  	_ =	shalt  }
0x80: {  	_ =	shalt  }
0x81: {  	_ =	shalt  }
0x82: {  	_ =	shalt  }
0x83: {  	_ =	shalt  }
0x84: {  	_ =	shalt  }
0x85: {  	_ =	shalt  }
0x86: {  	_ =	shalt  }
0x87: {  	_ =	shalt  }
.Lfunc_end0:
.L_simem_size_0:
called_computation_lowered:
.L_overlay_start_0:
0x88: {  	s2 =	sld [smem:$0x3FD9]  }
0x89: {  	s3 =	sld [smem:$0x3FFE];
	_ =	sdelay $0x1  }
0x8a: {  	s1 =	srdreg.scid  }
0x8b: {  	s0 =	sand.u32 $0x1, s1  }
0x8c: {  	s16 =	sshll.u32 s0, $0xA;
	s2 =	sadd.s32 s3, s2  }
0x8d: {  	s2 =	sadd.s32 s2, s16  }
0x8e: {  	[smem:$0x3FC7] =	sst s2  }
0x8f: {  	_ = 	snop  }
0x90: {  	(tm) =	ssettm $0x1  }
0x91: {  	s17 =	sld [smem:$0x3FFB];
	_ =	sdelay $0x3  }
0x92: {  	_ =	strace s17  }
0x93: {  	s2 =	sld [smem:$0x3FFC];
	_ =	sdelay $0x3  }
0x94: {  	_ =	strace s2  }
0x95: {  	s2 =	sld [smem:$0x3FFD];
	_ =	sdelay $0x3  }
0x96: {  	_ =	strace s2  }
0x97: {  	_ =	strace $0x8FFFFFFF  }
0x98: {  	s18 =	sld [smem:$0x3FDB];
	_ =	sdelay $0x1  }
0x99: {  	s19 =	simm.s32 $_scs_section_size  }
0x9a: {  	s4 =	simm.s32 $_size__tile_overlayer_lowered;
	s5 =	simm.s32 $_tile_overlayer_lowered  }
0x9b: {  	s22 =	simm.s32 $0x1BFF;
	s21 =	sshll.u32 s5, $0x1;
	s2 =	sadd.s32 s19, s18  }
0x9c: {  	s6 =	simm.s32 $0x0;
	s20 =	sshll.u32 s4, $0x1;
	s4 =	sadd.s32 s21, s2  }
0x9d: {  	[timem:s6], [sflag:s22] =	dma.local [hbm:s4], s20  }
0x9e: {  	_ =	swait.ge [sflag:s22], s20  }
0x9f: {  	s3 =	ssub.s32 $0x0, s20;
	[sflag:s22] =	ssyncset.done $0x0  }
0xa0: {  	[sflag:s22] =	ssyncadd.s32 s3;
	_ =	sdelay $0x1  }
0xa1: {  	s23 =	simm.s32 $0x1B8B  }
0xa2: {  	_ =	swait.ge [sflag:s23], $0x1  }
0xa3: {  	[sflag:s23] =	ssyncset.done $0x0  }
0xa4: {  	s25 =	simm.s32 $0x1B8E;
	s24 =	sld [smem:$0x3FFE];
	[sflag:s23] =	ssyncadd.s32 $0xFFFFFFFF  }
0xa5: {  	s26 =	simm.s32 $execute0_lowered;
	[smem:$0x3FD2] =	sst s25  }
0xa6: {  	s4 =	sshll.u32 s26, $0x1;
	_ =	strace $0x80000046;
	[dreg:$0x1] =	wrdreg $0xFFFFFFFF  }
0xa7: {  	s28 =	simm.s32 $_size_execute0_lowered;
	s2 =	sadd.s32 s2, s4;
	[dreg:$0x0] =	wrdreg $0x0  }
0xa8: {  	s4 =	sshll.u32 s28, $0x1;
	[dreg:$0x2] =	wrdreg s2  }
0xa9: {  	[dreg:$0x3] =	wrdreg s4  }
0xaa: {  	[dreg:$0x4] =	wrdreg $0xC0  }
0xab: {  	_ =	task [dreg:s6], $0x5FFFF  }
0xac: {  	[dreg:$0x1] =	wrdreg $0xFFFFFFFF  }
0xad: {  	[dreg:$0x0] =	wrdreg $0x60  }
0xae: {  	[dreg:$0x2] =	wrdreg s24  }
0xaf: {  	[dreg:$0x3] =	wrdreg $0x9  }
0xb0: {  	_ =	task.clear_ibuf [dreg:s6], $0x4FFFF;
	_ =	strace $0x90000046  }
0xb1: {  	s29 =	simm.s32 $0x9;
	_ =	strace $0x80000048  }
0xb2: {  	_ =	swait.ge [sflag:s29], $0x1  }
0xb3: {  	[sflag:s29] =	ssyncadd.s32 $0xFFFFFFFF  }
0xb4: {  	_ =	strace $0x90000048  }
0xb5: {  	_ =	sfence  }
0xb6: {  	s30 =	sld [smem:$0x0];
	_ =	sdelay $0x2  }
0xb7: {  	s31 =	sshll.u32 s1, $0xD;
	s1 =	sshrl.u32 s1, $0x2  }
0xb8: {  	s3 =	sand.u32 $0x4000, s31;
	s1 =	sadd.s32 s1, s30  }
0xb9: {  	s0 =	sor.u32 s3, s0;
	s1 =	sshll.u32 s1, $0x11  }
0xba: {  	s0 =	sor.u32 s1, s0  }
0xbb: {  	s0 =	sadd.s32 $0x8F2B, s0  }
0xbc: {  	[sflag:s0] =	ssyncadd.remote.s32 $0x1  }
0xbd: {  	_ =	sfence.sel $0xFFFF  }
0xbe: {  	[dreg:$0x0] =	wrdreg $0xFFFFFFFF;
	(pc) =	sbr.abs _section_cstart, $3  }
0xbf: {  	[dreg:$0x1] =	wrdreg $0xFFFFFFFF  }
0xc0: {  	_ =	task.clear_ibuf [dreg:s6], $0x2FFFF;
	_ =	strace $0x9FFFFFFF  }
0xc1: {  	(tm) =	ssettm $0x7FFFFFFF  }
tec
execute0_lowered:
.L_overlay_start_1:
0x0: {  	(tag) =	ssettag $0x1  }
0x1: {  	s1 =	srdreg.scid  }
0x2: {  	s0 =	stileid.u32;
	s5 =	rddreg [dreg:$0x0]  }
0x3: {  	s6 =	simm.s32 $0x80;
	s7 =	simm.s32 $0x400;
	s8 =	simm.s32 $0x1  }
0x4: {  	s3 =	sand.u32 $0x1, s1;
	s29 =	sshrl.u32 s0, $0x2;
	s2 =	sshll.u32 s0, $0x8  }
0x5: {  	s4 =	smul.u32 $0x1C000, s29;
	s30 =	sshll.u32 s3, $0x7;
	s2 =	sand.u32 $0x300, s2  }
0x6: {  	s9 =	simm.s32 $0x0;
	s1 =	rddreg [dreg:$0x1];
	s2 =	sor.u32 s30, s2  }
0x7: {  	s3 =	ssub.s32 $0x2, s3;
	s4 =	sor.u32 s4, s2;
	s2 =	simm.s32 $0x0  }
0x8: {  	s31 =	sshrl.u32 s3, $0x1;
	s4 =	sshrl.u32 s4, $0x3;
	[smem:$0x7FF] =	sst s2  }
0x9: {  	s4 =	sadd.s32 s4, s5;
	_ =	strace $0x80000047;
	s5 =	ssub.s32 s3, s31  }
0xa: {  	v0 =	vimm.s32 $0x0;
	s3 =	sadd.s32 $0x600, s4;
	s4 =	sadd.s32 $0xE600, s4;
	s5 =	smax.u32 s5, $0x1  }
.LBB2_1:
0xb: {  	[tilespmem:s2], [sflag:$0x1] =	stream.strided.gather [hbm4b:s3+s6], $0x3800, s7, s6, $0x38;
	[tilespmem:$0x7000] =	vst v63  }
0xc: {  	_ =	swait.ge [sflag:s8], $0x3800  }
0xd: {  	[sflag:s8] =	ssyncset.done $0x0  }
0xe: {  	s11 =	simm.s32 $0x40;
	[sflag:s8] =	ssyncadd.s32 $0xFFFFC800  }
0xf: {  	v1 =	vld [tilespmem:s11+$0x30]  }
0x10: {  	v5 =	vld [tilespmem:s11+$0xFFFFFFD0]  }
0x11: {  	v7 =	vld [tilespmem:s11+$0xFFFFFFE0]  }
0x12: {  	v4 =	vld [tilespmem:s11+$0xFFFFFFF0]  }
0x13: {  	v2 =	vld [tilespmem:s11+$0x0]  }
0x14: {  	s10 =	simm.s32 $0x3840;
	v3 =	vld [tilespmem:s11+$0x10];
	v1 =	vmax.f32 v1, $0.0e+00  }
0x15: {  	v8 =	vmax.f32 v5, $0.0e+00;
	v5 =	vld [tilespmem:s11+$0x20];
	[tilespmem:s10+$0x30] =	vst v1  }
0x16: {  	s12 =	simm.s32 $0x0;
	s13 =	simm.s32 $0xC0;
	v6 =	vld [tilespmem:s11+$0xFFFFFFC0];
	s11 =	simm.s32 $0x3840;
	v1 =	vimm.s32 $0x7F800000;
	[tilespmem:s10+$0xFFFFFFD0] =	vst v8;
	v8 =	vmax.f32 v7, $0.0e+00  }
.LBB2_2:
0x17: {  	v7 =	vld [tilespmem:s13+$0x30];
	s12 =	sadd.s32 $0x80, s12;
	[tilespmem:s11+$0xFFFFFFE0] =	vst v8;
	v4 =	vmax.f32 v4, $0.0e+00  }
0x18: {  	v8 =	vld [tilespmem:s13+$0xFFFFFFD0];
	p0 =	slt.u32 s12, $0x3780;
	[tilespmem:s11+$0xFFFFFFF0] =	vst v4;
	v2 =	vmax.f32 v2, $0.0e+00  }
0x19: {  	v9 =	vld [tilespmem:s13+$0xFFFFFFE0];
	[tilespmem:s11+$0x0] =	vst v2;
	v2 =	vmax.f32 v3, $0.0e+00  }
.Ltmp0:
0x1a: {  	v4 =	vld [tilespmem:s13+$0xFFFFFFF0];
	[tilespmem:s11+$0x10] =	vst v2;
	v3 =	vmax.f32 v5, $0.0e+00;
	(pc) =	sbr.rel @p0 .LBB2_2-.Ltmp0, $4  }
0x1b: {  	v2 =	vld [tilespmem:s13+$0x0];
	v5 =	vmax.f32 v6, $0.0e+00;
	[tilespmem:s11+$0x20] =	vst v3  }
0x1c: {  	v3 =	vld [tilespmem:s13+$0x10];
	v6 =	vmax.f32 v7, $0.0e+00;
	[tilespmem:s11+$0xFFFFFFC0] =	vst v5;
	s11 =	sadd.s32 $0x80, s11  }
0x1d: {  	v7 =	vimm.s32 $0x0;
	v8 =	vmax.f32 v8, $0.0e+00;
	v5 =	vld [tilespmem:s13+$0x20];
	[tilespmem:s11+$0x30] =	vst v6  }
0x1e: {  	v6 =	vld [tilespmem:s13+$0xFFFFFFC0];
	[tilespmem:s11+$0xFFFFFFD0] =	vst v8;
	v8 =	vmax.f32 v9, $0.0e+00;
	s13 =	sadd.s32 $0x80, s13  }
0x1f: {  	[tilespmem:s11+$0xFFFFFFE0] =	vst v8;
	v4 =	vmax.f32 v4, $0.0e+00  }
0x20: {  	[tilespmem:s11+$0xFFFFFFF0] =	vst v4;
	v2 =	vmax.f32 v2, $0.0e+00  }
0x21: {  	[tilespmem:s11+$0x0] =	vst v2;
	v2 =	vmax.f32 v3, $0.0e+00  }
0x22: {  	[tilespmem:s11+$0x10] =	vst v2;
	v2 =	vmax.f32 v5, $0.0e+00  }
0x23: {  	v3 =	vmax.f32 v6, $0.0e+00;
	[tilespmem:s11+$0x20] =	vst v2  }
0x24: {  	[tilespmem:s11+$0xFFFFFFC0] =	vst v3  }
0x25: {  	v2 =	vld [tilespmem:s10+$0xFFFFFFC0];
	_ =	sdelay $0x1  }
0x26: {  	v3 =	vld [tilespmem:s10+$0xFFFFFFD0];
	_ =	sdelay $0x1  }
0x27: {  	v4 =	vld [tilespmem:s10+$0xFFFFFFE0]  }
0x28: {  	vm0 =	vlt.s32 v1, v2;
	vm1 =	vgt.s32 v7, v2  }
0x29: {  	v5 =	vld [tilespmem:s10+$0xFFFFFFF0];
	v1 =	vsel vm0, v1, v2;
	v2 =	vsel vm1, v7, v2  }
0x2a: {  	vm0 =	vlt.s32 v1, v3;
	vm1 =	vgt.s32 v2, v3  }
0x2b: {  	v1 =	vsel vm0, v1, v3;
	v2 =	vsel vm1, v2, v3;
	v3 =	vld [tilespmem:s10+$0x0]  }
0x2c: {  	vm0 =	vlt.s32 v1, v4;
	vm1 =	vgt.s32 v2, v4  }
0x2d: {  	v6 =	vsel vm0, v1, v4;
	v2 =	vsel vm1, v2, v4;
	v1 =	vld [tilespmem:s10+$0x10]  }
0x2e: {  	vm0 =	vlt.s32 v6, v5;
	vm1 =	vgt.s32 v2, v5  }
0x2f: {  	v4 =	vsel vm0, v6, v5;
	v5 =	vsel vm1, v2, v5;
	v2 =	vld [tilespmem:s10+$0x20]  }
0x30: {  	vm0 =	vlt.s32 v4, v3;
	vm1 =	vgt.s32 v5, v3  }
0x31: {  	v4 =	vsel vm0, v4, v3;
	v5 =	vsel vm1, v5, v3;
	v3 =	vld [tilespmem:s10+$0x30]  }
0x32: {  	s11 =	simm.s32 $0x0;
	s10 =	simm.s32 $0x38C0;
	vm0 =	vlt.s32 v4, v1;
	vm1 =	vgt.s32 v5, v1  }
.LBB2_4:
0x33: {  	v6 =	vld [tilespmem:s10+$0xFFFFFFC0];
	s11 =	sadd.s32 $0x80, s11;
	v4 =	vsel vm0, v4, v1;
	v1 =	vsel vm1, v5, v1  }
0x34: {  	p0 =	slt.u32 s11, $0x3780;
	vm0 =	vlt.s32 v4, v2;
	vm1 =	vgt.s32 v1, v2  }
0x35: {  	v5 =	vld [tilespmem:s10+$0xFFFFFFD0];
	v4 =	vsel vm0, v4, v2;
	v1 =	vsel vm1, v1, v2  }
0x36: {  	vm0 =	vlt.s32 v4, v3;
	vm1 =	vgt.s32 v1, v3  }
0x37: {  	v2 =	vld [tilespmem:s10+$0xFFFFFFE0];
	v4 =	vsel vm0, v4, v3;
	v1 =	vsel vm1, v1, v3  }
0x38: {  	vm0 =	vlt.s32 v4, v6;
	vm1 =	vgt.s32 v1, v6  }
0x39: {  	v3 =	vsel vm0, v4, v6;
	v1 =	vsel vm1, v1, v6;
	v4 =	vld [tilespmem:s10+$0xFFFFFFF0]  }
0x3a: {  	vm0 =	vlt.s32 v3, v5;
	vm1 =	vgt.s32 v1, v5  }
0x3b: {  	v3 =	vsel vm0, v3, v5;
	v1 =	vsel vm1, v1, v5;
	v5 =	vld [tilespmem:s10+$0x0]  }
0x3c: {  	vm0 =	vlt.s32 v3, v2;
	vm1 =	vgt.s32 v1, v2  }
0x3d: {  	v3 =	vsel vm0, v3, v2;
	v2 =	vsel vm1, v1, v2;
	v1 =	vld [tilespmem:s10+$0x10]  }
.Ltmp1:
0x3e: {  	vm0 =	vlt.s32 v3, v4;
	vm1 =	vgt.s32 v2, v4;
	(pc) =	sbr.rel @p0 .LBB2_4-.Ltmp1, $4  }
0x3f: {  	v3 =	vsel vm0, v3, v4;
	v6 =	vsel vm1, v2, v4;
	v2 =	vld [tilespmem:s10+$0x20]  }
0x40: {  	vm0 =	vlt.s32 v3, v5;
	vm1 =	vgt.s32 v6, v5  }
0x41: {  	v4 =	vsel vm0, v3, v5;
	v5 =	vsel vm1, v6, v5;
	v3 =	vld [tilespmem:s10+$0x30]  }
0x42: {  	s10 =	sadd.s32 $0x80, s10;
	vm0 =	vlt.s32 v4, v1;
	vm1 =	vgt.s32 v5, v1  }
0x43: {  	v4 =	vsel vm0, v4, v1  }
0x44: {  	v1 =	vsel vm1, v5, v1;
	vm0 =	vlt.s32 v4, v2  }
0x45: {  	vm1 =	vgt.s32 v1, v2;
	v4 =	vsel vm0, v4, v2  }
0x46: {  	v1 =	vsel vm1, v1, v2;
	vm0 =	vlt.s32 v4, v3  }
0x47: {  	vm1 =	vgt.s32 v1, v3;
	v2 =	vsel vm0, v4, v3  }
0x48: {  	v1 =	vsel vm1, v1, v3;
	v2 =	vxor.u32 $0x80000000, v2  }
0x49: {  	v1 =	vxor.u32 $0x80000000, v1;
	(xrf0) =	vmin.scan.msk.u32 $0xffff, v2  }
0x4a: {  	(xrf0) =	vmax.scan.msk.u32 $0xffff, v1;
	_ =	sdelay $0x4  }
0x4b: {  	v1, _, _ =	vpop (xrf0)  }
0x4c: {  	(v2sf) =	vpush v1, $0xF;
	v1, _, _ =	vpop (xrf0)  }
0x4d: {  	(v2sf) =	vpush v1, $0xF;
	_ =	sdelay $0xd  }
0x4e: {  	s10 =	spop (v2sf)  }
0x4f: {  	s12 =	spop (v2sf)  }
0x50: {  	s11 =	sxor.u32 $0x80000000, s10;
	s10 =	sxor.u32 $0x80000000, s12  }
0x51: {  	p0 =	slt.s32 s11, s10  }
.Ltmp2:
0x52: {  	_ = 	snop;
	(pc) =	sbr.rel @!p0 .LBB2_6-.Ltmp2, $1  }
0x53: {  	_ =	sdelay $0x3  }
.LBB2_10:
0x54: {  	s14 =	simm.s32 $0x3840  }
0x55: {  	v3 =	vld [tilespmem:s14+$0xFFFFFFC0]  }
0x56: {  	s12 =	ssub.s32 s10, s11;
	v5 =	vld [tilespmem:s14+$0xFFFFFFD0]  }
0x57: {  	s12 =	sshra.s32 s12, $0x1;
	v6 =	vld [tilespmem:s14+$0xFFFFFFE0]  }
0x58: {  	v4 =	vld [tilespmem:s14+$0xFFFFFFF0];
	s12 =	sadd.s32 s11, s12  }
0x59: {  	v2 =	vld [tilespmem:s14+$0x0];
	v1 =	vmov s12  }
0x5a: {  	vm0 =	vle.s32 v3, v1;
	v3 =	vld [tilespmem:s14+$0x10]  }
0x5b: {  	v7 =	vimm.s32 $0x0;
	v8 =	vsel vm0, $0x1, v0;
	vm0 =	vle.s32 v5, v1;
	v5 =	vld [tilespmem:s14+$0x20]  }
0x5c: {  	s13 =	simm.s32 $0x0;
	v7 =	vadd.s32 v8, v7;
	v8 =	vsel vm0, $0x1, v0;
	vm0 =	vle.s32 v6, v1;
	v6 =	vld [tilespmem:s14+$0x30];
	s14 =	simm.s32 $0x38C0  }
.LBB2_11:
0x5d: {  	v9 =	vld [tilespmem:s14+$0xFFFFFFC0];
	s13 =	sadd.s32 $0x80, s13;
	v7 =	vadd.s32 v8, v7;
	v8 =	vsel vm0, $0x1, v0;
	vm0 =	vle.s32 v4, v1  }
0x5e: {  	v10 =	vld [tilespmem:s14+$0xFFFFFFD0];
	p0 =	slt.u32 s13, $0x3780;
	v4 =	vadd.s32 v8, v7;
	v7 =	vsel vm0, $0x1, v0;
	vm0 =	vle.s32 v2, v1  }
0x5f: {  	v11 =	vld [tilespmem:s14+$0xFFFFFFE0];
	v2 =	vadd.s32 v7, v4;
	v7 =	vsel vm0, $0x1, v0;
	vm0 =	vle.s32 v3, v1  }
.Ltmp3:
0x60: {  	v4 =	vld [tilespmem:s14+$0xFFFFFFF0];
	v3 =	vadd.s32 v7, v2;
	v7 =	vsel vm0, $0x1, v0;
	vm0 =	vle.s32 v5, v1;
	(pc) =	sbr.rel @p0 .LBB2_11-.Ltmp3, $4  }
0x61: {  	v2 =	vld [tilespmem:s14+$0x0];
	v5 =	vadd.s32 v7, v3;
	v7 =	vsel vm0, $0x1, v0;
	vm0 =	vle.s32 v6, v1  }
0x62: {  	vm1 =	vle.s32 v9, v1;
	v3 =	vld [tilespmem:s14+$0x10];
	v6 =	vadd.s32 v7, v5;
	v7 =	vsel vm0, $0x1, v0  }
0x63: {  	v8 =	vsel vm1, $0x1, v0;
	vm0 =	vle.s32 v10, v1;
	v5 =	vld [tilespmem:s14+$0x20];
	v6 =	vadd.s32 v7, v6  }
0x64: {  	v7 =	vadd.s32 v8, v6;
	v8 =	vsel vm0, $0x1, v0;
	vm0 =	vle.s32 v11, v1;
	v6 =	vld [tilespmem:s14+$0x30];
	s14 =	sadd.s32 $0x80, s14  }
0x65: {  	v7 =	vadd.s32 v8, v7;
	v60 =	vsel vm0, $0x1, v0;
	vm11 =	vle.s32 v4, v1  }
0x66: {  	v61 =	vadd.s32 v60, v7;
	v62 =	vsel vm11, $0x1, v0;
	vm12 =	vle.s32 v2, v1  }
0x67: {  	v2 =	vadd.s32 v62, v61;
	v63 =	vsel vm12, $0x1, v0;
	vm13 =	vle.s32 v3, v1  }
0x68: {  	v2 =	vadd.s32 v63, v2;
	v3 =	vsel vm13, $0x1, v0;
	vm14 =	vle.s32 v5, v1  }
0x69: {  	v2 =	vadd.s32 v3, v2;
	v3 =	vsel vm14, $0x1, v0;
	vm15 =	vle.s32 v6, v1  }
0x6a: {  	v1 =	vadd.s32 v3, v2;
	v2 =	vsel vm15, $0x1, v0  }
0x6b: {  	v1 =	vadd.s32 v2, v1  }
0x6c: {  	(xrf0) =	vadd.scan.msk.s32 $0xffff, v1;
	_ =	sdelay $0x5  }
0x6d: {  	v1, _, _ =	vpop (xrf0)  }
0x6e: {  	(v2sf) =	vpush v1, $0xF;
	_ =	sdelay $0xe  }
0x6f: {  	s13 =	spop (v2sf)  }
0x70: {  	p0 =	sgt.s32 s13, $0x1BFF;
	s13 =	sadd.s32 $0x1, s12  }
0x71: {  	s13 =	smov.u32 @p0 s11;
	s10 =	smov.u32 @p0 s12  }
0x72: {  	p0 =	slt.s32 s13, s10  }
.Ltmp4:
0x73: {  	_ = 	snop;
	(pc) =	sbr.rel @p0 .LBB2_10-.Ltmp4, $2  }
0x74: {  	_ =	sdelay $0x2  }
0x75: {  	s11 =	smov.u32 s13  }
.LBB2_6:
0x76: {  	s12 =	simm.s32 $0x3840  }
0x77: {  	v5 =	vld [tilespmem:s12+$0x30]  }
0x78: {  	v8 =	vld [tilespmem:s12+$0xFFFFFFD0]  }
0x79: {  	v7 =	vld [tilespmem:s12+$0xFFFFFFE0]  }
0x7a: {  	v6 =	vld [tilespmem:s12+$0xFFFFFFF0]  }
0x7b: {  	v1 =	vmov s11;
	v4 =	vld [tilespmem:s12+$0x0]  }
0x7c: {  	v3 =	vld [tilespmem:s12+$0x10];
	vm0 =	vgt.s32 v5, v1  }
0x7d: {  	s10 =	simm.s32 $0x40;
	v2 =	vld [tilespmem:s12+$0x20];
	vm1 =	vgt.s32 v8, v1;
	v9 =	vnsel vm0, $0x0, v5  }
0x7e: {  	s11 =	simm.s32 $0x0;
	v5 =	vld [tilespmem:s12+$0xFFFFFFC0];
	v8 =	vnsel vm1, $0x0, v8;
	vm0 =	vgt.s32 v7, v1;
	s12 =	simm.s32 $0x38C0;
	[tilespmem:s10+$0x30] =	vst v9  }
.LBB2_7:
0x7f: {  	v9 =	vld [tilespmem:s12+$0x30];
	s11 =	sadd.s32 $0x80, s11;
	[tilespmem:s10+$0xFFFFFFD0] =	vst v8;
	v7 =	vnsel vm0, $0x0, v7;
	vm0 =	vgt.s32 v6, v1  }
0x80: {  	v8 =	vld [tilespmem:s12+$0xFFFFFFD0];
	p0 =	slt.u32 s11, $0x3780;
	[tilespmem:s10+$0xFFFFFFE0] =	vst v7;
	v6 =	vnsel vm0, $0x0, v6;
	vm0 =	vgt.s32 v4, v1  }
0x81: {  	v7 =	vld [tilespmem:s12+$0xFFFFFFE0];
	[tilespmem:s10+$0xFFFFFFF0] =	vst v6;
	v4 =	vnsel vm0, $0x0, v4;
	vm0 =	vgt.s32 v3, v1  }
.Ltmp5:
0x82: {  	v6 =	vld [tilespmem:s12+$0xFFFFFFF0];
	[tilespmem:s10+$0x0] =	vst v4;
	v3 =	vnsel vm0, $0x0, v3;
	vm0 =	vgt.s32 v2, v1;
	(pc) =	sbr.rel @p0 .LBB2_7-.Ltmp5, $4  }
0x83: {  	v4 =	vld [tilespmem:s12+$0x0];
	vm1 =	vgt.s32 v5, v1;
	[tilespmem:s10+$0x10] =	vst v3;
	v2 =	vnsel vm0, $0x0, v2  }
0x84: {  	v3 =	vld [tilespmem:s12+$0x10];
	vm0 =	vgt.s32 v9, v1;
	v5 =	vnsel vm1, $0x0, v5;
	[tilespmem:s10+$0x20] =	vst v2  }
0x85: {  	vm1 =	vgt.s32 v8, v1;
	v2 =	vld [tilespmem:s12+$0x20];
	v9 =	vnsel vm0, $0x0, v9;
	[tilespmem:s10+$0xFFFFFFC0] =	vst v5;
	s10 =	sadd.s32 $0x80, s10  }
0x86: {  	v5 =	vld [tilespmem:s12+$0xFFFFFFC0];
	v8 =	vnsel vm1, $0x0, v8;
	vm0 =	vgt.s32 v7, v1;
	[tilespmem:s10+$0x30] =	vst v9;
	s12 =	sadd.s32 $0x80, s12  }
0x87: {  	[tilespmem:s10+$0xFFFFFFD0] =	vst v8;
	v7 =	vnsel vm0, $0x0, v7;
	vm12 =	vgt.s32 v6, v1  }
0x88: {  	[tilespmem:s10+$0xFFFFFFE0] =	vst v7;
	v6 =	vnsel vm12, $0x0, v6;
	vm13 =	vgt.s32 v4, v1  }
0x89: {  	[tilespmem:s10+$0xFFFFFFF0] =	vst v6;
	v4 =	vnsel vm13, $0x0, v4;
	vm14 =	vgt.s32 v3, v1  }
0x8a: {  	[tilespmem:s10+$0x0] =	vst v4;
	v3 =	vnsel vm14, $0x0, v3;
	vm15 =	vgt.s32 v2, v1  }
0x8b: {  	s9 =	sadd.s32 $0x1, s9;
	vm1 =	vgt.s32 v5, v1;
	[tilespmem:s10+$0x10] =	vst v3;
	v1 =	vnsel vm15, $0x0, v2  }
0x8c: {  	p0 =	sne.s32 s9, s5;
	v2 =	vnsel vm1, $0x0, v5;
	[tilespmem:s10+$0x20] =	vst v1  }
.Ltmp6:
0x8d: {  	[tilespmem:s10+$0xFFFFFFC0] =	vst v2;
	(pc) =	sbr.rel @p0 .LBB2_1-.Ltmp6, $4  }
0x8e: {  	[hbm4b:s4+s6] =	stream.strided.scatter [tilespmem:s2], [sflag:$0x1], $0x3800, s7, s6, $0x38;
	[tilespmem:$0x7000] =	vst v63  }
0x8f: {  	_ =	swait.ge [sflag:s8], $0x3800  }
0x90: {  	[sflag:s8] =	ssyncset.done $0x0  }
0x91: {  	[sflag:s8] =	ssyncadd.s32 $0xFFFFC800  }
0x92: {  	_ =	sfence.sel $0x180000  }
0x93: {  	[bflag:$0x0] =	sbarrier.arrive $0xFFFF  }
0x94: {  	p0 =	sne.s32 s0, $0x0;
	_ =	strace $0x90000047  }
0x95: {  	s0 =	sadd.s32 @!p0 $0x100000, s1;
	[bflag:$0x2] =	sbarrier.arrive $0xFFFF  }
0x96: {  	[sflag:s0] =	ssyncadd.tile.s32 @!p0 $0x1;
	_ =	shalt  }
.Lfunc_end2:
_tile_overlayer_lowered:
.L_overlay_start_2:
0x97: {  	(tag) =	ssettag $0x2  }
0x98: {  	s0 =	rddreg [dreg:$0x0];
	s2 =	stileid.u32  }
0x99: {  	s1 =	rddreg [dreg:$0x1];
	p0 =	sne.s32 s2, $0x0  }
0x9a: {  	s3 =	rddreg [dreg:$0x2];
	[bflag:$0x3] =	sbarrier.arrive $0xFFFF;
	s2 =	simm.s32 @!p0 $0x1C02  }
0x9b: {  	[timem:s3], [sflag:s2] =	dma.local @!p0 [hbm:s0], s1  }
0x9c: {  	s0 =	simm.s32 @!p0 $0x2  }
0x9d: {  	_ =	swait.ge @!p0 [sflag:s0], s1  }
0x9e: {  	s1 =	ssub.s32 @!p0 $0x0, s1;
	[sflag:s0] =	ssyncset.done @!p0 $0x0  }
0x9f: {  	[sflag:s0] =	ssyncadd.s32 @!p0 s1  }
0xa0: {  	[bflag:$0x3] =	sbarrier.arrive $0xFFFF  }
0xa1: {  	_ =	shalt  }

</sc_bundles>
